<compile_context>
chip_gen: v7x
topology: tpu7x:2x2x1
jax: 0.10.2.dev20260603
libtpu: 0.0.44.dev20260713+nightly
codegen_flags: <defaults>
</compile_context>

<pallas_src>
import functools

import jax
import jax.numpy as jnp
from jax import lax
from jax.experimental import pallas as pl
from jax.experimental.pallas import tpu as pltpu
from jax.experimental.pallas import tpu_sc as plsc

NUM_CORES = 2
NUM_SUBCORES = 16
NUM_WORKERS = NUM_CORES * NUM_SUBCORES


@jax.jit
def _gather_t(idx_t, table):
    F, B = idx_t.shape
    V, D = table.shape
    b_per_w = B // NUM_WORKERS
    mesh = plsc.VectorSubcoreMesh(core_axis_name="c", subcore_axis_name="s")

    @functools.partial(
        pl.kernel,
        mesh=mesh,
        out_type=jax.ShapeDtypeStruct((F, D, B), jnp.float32),
        scratch_types=[
            pltpu.VMEM((F, b_per_w), jnp.int32),
            pltpu.VMEM((b_per_w, D), jnp.float32),
            pltpu.VMEM((b_per_w, D), jnp.float32),
            pltpu.VMEM((D, b_per_w), jnp.float32),
            pltpu.VMEM((D, b_per_w), jnp.float32),
            pltpu.SemaphoreType.DMA,
            pltpu.SemaphoreType.DMA,
            pltpu.SemaphoreType.DMA,
            pltpu.SemaphoreType.DMA,
        ],
        compiler_params=pltpu.CompilerParams(
            needs_layout_passes=False, use_tc_tiling_on_sc=False),
    )
    def k(idx_hbm, table_hbm, out_hbm, idx_v, rows0, rows1, cols0, cols1,
          gsem0, gsem1, osem0, osem1):
        wid = lax.axis_index("s") * NUM_CORES + lax.axis_index("c")
        b0 = wid * b_per_w
        rows = (rows0, rows1)
        cols = (cols0, cols1)
        gsem = (gsem0, gsem1)
        osem = (osem0, osem1)

        pltpu.sync_copy(idx_hbm.at[:, pl.ds(b0, b_per_w)], idx_v)

        lane = lax.iota(jnp.int32, 16)
        d_lo = lane
        d_hi = lane + 16
        UNROLL = 8

        def transpose_block(src, dst):
            def jb(g, bv):
                for u in range(UNROLL):
                    j = g * UNROLL + u
                    bju = bv + u
                    v0 = src[j, pl.ds(0, 16)]
                    v1 = src[j, pl.ds(16, 16)]
                    plsc.store_scatter(dst, [d_lo, bju], v0)
                    plsc.store_scatter(dst, [d_hi, bju], v1)
                return bv + UNROLL
            lax.fori_loop(0, b_per_w // UNROLL, jb,
                          jnp.zeros((16,), jnp.int32))

        def gather_start(f, slot):
            pltpu.async_copy(table_hbm.at[idx_v.at[f]], rows[slot], gsem[slot])

        def gather_wait(slot):
            pltpu.make_async_copy(
                table_hbm.at[idx_v.at[0]], rows[slot], gsem[slot]).wait()

        def out_start(f, slot):
            pltpu.async_copy(
                cols[slot], out_hbm.at[f, :, pl.ds(b0, b_per_w)], osem[slot])

        def out_wait(slot):
            pltpu.make_async_copy(
                cols[slot], out_hbm.at[0, :, pl.ds(b0, b_per_w)],
                osem[slot]).wait()

        gather_start(0, 0)

        def body(i, _):
            for s in range(2):
                f = 2 * i + s
                @pl.when(i >= 1)
                def _():
                    out_wait(s)
                gather_wait(s)
                if s == 0:
                    gather_start(f + 1, 1 - s)
                else:
                    @pl.when(i < F // 2 - 1)
                    def _():
                        gather_start(f + 1, 1 - s)
                out_start(f, s)
            return 0

        lax.fori_loop(0, F // 2, body, 0)
        out_wait(0)
        out_wait(1)

    return k(idx_t, table)


def kernel(indices, table):
    B, F = indices.shape
    D = table.shape[1]
    idx_t = indices.T.astype(jnp.int32)
    out_t = _gather_t(idx_t, table)
    return jnp.transpose(out_t, (2, 0, 1))

# --- scband reference (transcript-rebuilt; emitter-appended) ---
"""Pipeline reference for scband-embedding-17214228923018 (READ-ONLY COPY).

The authoritative reference and input builder live on the scoring server;
editing this copy changes nothing except your own understanding.
"""

import jax, jax.numpy as jnp
import numpy as np

NUM_EMBEDDINGS = 1000000
EMBEDDING_DIM = 32
BATCH = 16384
FIELDS = 100

def setup_inputs(seed: int = 0) -> dict:
    key = jax.random.key(seed)
    k_idx, k_tab = jax.random.split(key)
    indices = jax.random.randint(k_idx, (BATCH, FIELDS), 0, NUM_EMBEDDINGS, dtype=jnp.int64 if jax.config.jax_enable_x64 else jnp.int32)
    table = jax.random.normal(k_tab, (NUM_EMBEDDINGS, EMBEDDING_DIM), dtype=jnp.float32)
    return {"indices": indices, "table": table}

def reference(indices, table):
    # nn.Embedding forward: gather rows of the weight table by index
    return jnp.take(table, indices, axis=0)

if __name__ == "__main__":
    import jax
    _d = setup_inputs()
    print(jax.jit(kernel)(*tuple(_d.values())))

</pallas_src>

<mosaic_0001>
#map = affine_map<(d0, d1) -> (0, 0)>
#map1 = affine_map<(d0, d1) -> (0, 0, 0)>
module attributes {stable_mosaic.version = 14 : i64} {
  func.func @k(%arg0: i32, %arg1: i32, %arg2: memref<100x16384xi32, #tpu.memory_space<hbm>>, %arg3: memref<1000000x32xf32, #tpu.memory_space<hbm>>, %arg4: memref<100x32x16384xf32, #tpu.memory_space<hbm>>, %arg5: memref<100x512xi32, #tpu.memory_space<vmem>>, %arg6: memref<512x32xf32, #tpu.memory_space<vmem>>, %arg7: memref<512x32xf32, #tpu.memory_space<vmem>>, %arg8: memref<32x512xf32, #tpu.memory_space<vmem>>, %arg9: memref<32x512xf32, #tpu.memory_space<vmem>>, %arg10: memref<!tpu.dma_semaphore, #tpu.memory_space<semaphore_mem>>, %arg11: memref<!tpu.dma_semaphore, #tpu.memory_space<semaphore_mem>>, %arg12: memref<!tpu.dma_semaphore, #tpu.memory_space<semaphore_mem>>, %arg13: memref<!tpu.dma_semaphore, #tpu.memory_space<semaphore_mem>>) attributes {dimension_semantics = [#tpu.dimension_semantics<core_parallel>, #tpu.dimension_semantics<subcore_parallel>], iteration_bounds = array<i64: 2, 16>, scalar_prefetch = 0 : i64, scratch_operands = 9 : i64, tpu.core_type = #tpu.core_type<sc_vector_subcore>, window_params = [{transform_indices = #map}, {transform_indices = #map}, {transform_indices = #map1}]} {
    %mul3A = arith.constant 2 : i32
    %mul3A_0 = arith.muli %arg1, %mul3A : i32
    %add3A = arith.addi %mul3A_0, %arg0 : i32
    %mul3A_1 = arith.constant 512 : i32
    %mul3A_2 = arith.muli %add3A, %mul3A_1 : i32
    "tpu.region"() ({
      %run_scoped3A = tpu.sem_alloc : memref<!tpu.dma_semaphore, #tpu.memory_space<semaphore_mem>>
      %dma_start3A_31 = arith.constant 0 : i32
      %dma_start3A_32 = tpu.memref_slice %arg2[%dma_start3A_31, %mul3A_2] : memref<100x16384xi32, #tpu.memory_space<hbm>> -> memref<100x512xi32, #tpu.memory_space<hbm>>
      %dma_start3A_33 = arith.constant 0 : i32
      %dma_start3A_34 = tpu.memref_slice %arg2[%dma_start3A_33, %mul3A_2] : memref<100x16384xi32, #tpu.memory_space<hbm>> -> memref<100x512xi32, #tpu.memory_space<hbm>>
      tpu.enqueue_dma source(%dma_start3A_34 : memref<100x512xi32, #tpu.memory_space<hbm>>) target(%arg5 : memref<100x512xi32, #tpu.memory_space<vmem>>) target_semaphore(%run_scoped3A : memref<!tpu.dma_semaphore, #tpu.memory_space<semaphore_mem>>)
      %dma_wait3A_35 = arith.constant 0 : i32
      %dma_wait3A_36 = tpu.memref_slice %arg2[%dma_wait3A_35, %mul3A_2] : memref<100x16384xi32, #tpu.memory_space<hbm>> -> memref<100x512xi32, #tpu.memory_space<hbm>>
      %dma_wait3A_37 = arith.constant 0 : i32
      %dma_wait3A_38 = tpu.memref_slice %arg2[%dma_wait3A_37, %mul3A_2] : memref<100x16384xi32, #tpu.memory_space<hbm>> -> memref<100x512xi32, #tpu.memory_space<hbm>>
      tpu.wait_dma2 semaphore(%run_scoped3A : memref<!tpu.dma_semaphore, #tpu.memory_space<semaphore_mem>>) src(%dma_wait3A_38 : memref<100x512xi32, #tpu.memory_space<hbm>>) dst(%arg5 : memref<100x512xi32, #tpu.memory_space<vmem>>)
      tpu.yield
    }) : () -> ()
    %iota3A = tpu.iota {dimensions = array<i32: 0>} : vector<16xi32>
    %add3A_3 = arith.constant 16 : i32
    %add3A_4 = vector.broadcast %add3A_3 : i32 to vector<16xi32>
    %add3A_5 = arith.addi %iota3A, %add3A_4 : vector<16xi32>
    %dma_start3A = arith.constant 0 : i32
    %dma_start3A_6 = arith.constant 0 : i32
    %dma_start3A_7 = tpu.memref_slice %arg5[%dma_start3A, %dma_start3A_6] : memref<100x512xi32, #tpu.memory_space<vmem>> -> memref<1x512xi32, #tpu.memory_space<vmem>>
    %dma_start3A_8 = tpu.memref_squeeze %dma_start3A_7 : memref<1x512xi32, #tpu.memory_space<vmem>> -> memref<512xi32, #tpu.memory_space<vmem>>
    %dma_start3A_9 = arith.constant 0 : i32
    %dma_start3A_10 = arith.constant 0 : i32
    %dma_start3A_11 = tpu.memref_slice %arg3[%dma_start3A_9, %dma_start3A_10] : memref<1000000x32xf32, #tpu.memory_space<hbm>> -> memref<1000000x32xf32, #tpu.memory_space<hbm>>
    tpu.enqueue_indirect_dma source(%dma_start3A_11 : memref<1000000x32xf32, #tpu.memory_space<hbm>>) target(%arg6 : memref<512x32xf32, #tpu.memory_space<vmem>>) offsets(%dma_start3A_8 : memref<512xi32, #tpu.memory_space<vmem>>) semaphore(%arg10 : memref<!tpu.dma_semaphore, #tpu.memory_space<semaphore_mem>>)
    %scan3A = arith.constant 0 : i32
    %scan3A_12 = arith.constant 0 : i32
    %scan3A_13 = arith.constant 50 : i32
    %scan3A_14 = arith.addi %scan3A_12, %scan3A_13 : i32
    %scan3A_15 = arith.constant 1 : i32
    %scan3A_16 = scf.for %scan3A_31 = %scan3A_12 to %scan3A_14 step %scan3A_15 iter_args(%scan3A_32 = %scan3A) -> (i32)  : i32 {
      %mul3A_33 = arith.constant 2 : i32
      %mul3A_34 = arith.muli %mul3A_33, %scan3A_31 : i32
      %add3A_35 = arith.constant 0 : i32
      %add3A_36 = arith.addi %mul3A_34, %add3A_35 : i32
      %ge3A = arith.constant 1 : i32
      %ge3A_37 = arith.cmpi sge, %scan3A_31, %ge3A : i32
      %convert_element_type3A = arith.extui %ge3A_37 : i1 to i32
      %cond3A = arith.constant 0 : i32
      %cond3A_38 = arith.cmpi ne, %convert_element_type3A, %cond3A : i32
      scf.if %cond3A_38 {
        %dma_wait3A_87 = arith.constant 0 : i32
        %dma_wait3A_88 = arith.constant 0 : i32
        %dma_wait3A_89 = tpu.memref_slice %arg4[%dma_wait3A_87, %dma_wait3A_88, %mul3A_2] : memref<100x32x16384xf32, #tpu.memory_space<hbm>> -> memref<1x32x512xf32, #tpu.memory_space<hbm>>
        %dma_wait3A_90 = tpu.memref_squeeze %dma_wait3A_89 : memref<1x32x512xf32, #tpu.memory_space<hbm>> -> memref<32x512xf32, #tpu.memory_space<hbm>>
        %dma_wait3A_91 = arith.constant 0 : i32
        %dma_wait3A_92 = tpu.memref_slice %arg4[%dma_wait3A_87, %dma_wait3A_91, %mul3A_2] : memref<100x32x16384xf32, #tpu.memory_space<hbm>> -> memref<1x32x512xf32, #tpu.memory_space<hbm>>
        %dma_wait3A_93 = tpu.memref_squeeze %dma_wait3A_92 : memref<1x32x512xf32, #tpu.memory_space<hbm>> -> memref<32x512xf32, #tpu.memory_space<hbm>>
        tpu.wait_dma2 semaphore(%arg12 : memref<!tpu.dma_semaphore, #tpu.memory_space<semaphore_mem>>) src(%arg8 : memref<32x512xf32, #tpu.memory_space<vmem>>) dst(%dma_wait3A_93 : memref<32x512xf32, #tpu.memory_space<hbm>>)
      } else {
      }
      %dma_wait3A_39 = arith.constant 0 : i32
      %dma_wait3A_40 = arith.constant 0 : i32
      %dma_wait3A_41 = tpu.memref_slice %arg5[%dma_wait3A_39, %dma_wait3A_40] : memref<100x512xi32, #tpu.memory_space<vmem>> -> memref<1x512xi32, #tpu.memory_space<vmem>>
      %dma_wait3A_42 = tpu.memref_squeeze %dma_wait3A_41 : memref<1x512xi32, #tpu.memory_space<vmem>> -> memref<512xi32, #tpu.memory_space<vmem>>
      %dma_wait3A_43 = arith.constant 0 : i32
      %dma_wait3A_44 = arith.constant 0 : i32
      %dma_wait3A_45 = tpu.memref_slice %arg3[%dma_wait3A_43, %dma_wait3A_44] : memref<1000000x32xf32, #tpu.memory_space<hbm>> -> memref<1000000x32xf32, #tpu.memory_space<hbm>>
      tpu.wait_indirect_dma semaphore(%arg10 : memref<!tpu.dma_semaphore, #tpu.memory_space<semaphore_mem>>) src(%dma_wait3A_45 : memref<1000000x32xf32, #tpu.memory_space<hbm>>) dst(%arg6 : memref<512x32xf32, #tpu.memory_space<vmem>>)
      %add3A_46 = arith.constant 1 : i32
      %add3A_47 = arith.addi %add3A_36, %add3A_46 : i32
      %dma_start3A_48 = arith.constant 0 : i32
      %dma_start3A_49 = tpu.memref_slice %arg5[%add3A_47, %dma_start3A_48] : memref<100x512xi32, #tpu.memory_space<vmem>> -> memref<1x512xi32, #tpu.memory_space<vmem>>
      %dma_start3A_50 = tpu.memref_squeeze %dma_start3A_49 : memref<1x512xi32, #tpu.memory_space<vmem>> -> memref<512xi32, #tpu.memory_space<vmem>>
      %dma_start3A_51 = arith.constant 0 : i32
      %dma_start3A_52 = arith.constant 0 : i32
      %dma_start3A_53 = tpu.memref_slice %arg3[%dma_start3A_51, %dma_start3A_52] : memref<1000000x32xf32, #tpu.memory_space<hbm>> -> memref<1000000x32xf32, #tpu.memory_space<hbm>>
      tpu.enqueue_indirect_dma source(%dma_start3A_53 : memref<1000000x32xf32, #tpu.memory_space<hbm>>) target(%arg7 : memref<512x32xf32, #tpu.memory_space<vmem>>) offsets(%dma_start3A_50 : memref<512xi32, #tpu.memory_space<vmem>>) semaphore(%arg11 : memref<!tpu.dma_semaphore, #tpu.memory_space<semaphore_mem>>)
      %dma_start3A_54 = arith.constant 0 : i32
      %dma_start3A_55 = tpu.memref_slice %arg4[%add3A_36, %dma_start3A_54, %mul3A_2] : memref<100x32x16384xf32, #tpu.memory_space<hbm>> -> memref<1x32x512xf32, #tpu.memory_space<hbm>>
      %dma_start3A_56 = tpu.memref_squeeze %dma_start3A_55 : memref<1x32x512xf32, #tpu.memory_space<hbm>> -> memref<32x512xf32, #tpu.memory_space<hbm>>
      %dma_start3A_57 = arith.constant 0 : i32
      %dma_start3A_58 = tpu.memref_slice %arg4[%add3A_36, %dma_start3A_57, %mul3A_2] : memref<100x32x16384xf32, #tpu.memory_space<hbm>> -> memref<1x32x512xf32, #tpu.memory_space<hbm>>
      %dma_start3A_59 = tpu.memref_squeeze %dma_start3A_58 : memref<1x32x512xf32, #tpu.memory_space<hbm>> -> memref<32x512xf32, #tpu.memory_space<hbm>>
      tpu.enqueue_dma source(%arg8 : memref<32x512xf32, #tpu.memory_space<vmem>>) target(%dma_start3A_59 : memref<32x512xf32, #tpu.memory_space<hbm>>) target_semaphore(%arg12 : memref<!tpu.dma_semaphore, #tpu.memory_space<semaphore_mem>>)
      %mul3A_60 = arith.constant 2 : i32
      %mul3A_61 = arith.muli %mul3A_60, %scan3A_31 : i32
      %add3A_62 = arith.constant 1 : i32
      %add3A_63 = arith.addi %mul3A_61, %add3A_62 : i32
      %ge3A_64 = arith.constant 1 : i32
      %ge3A_65 = arith.cmpi sge, %scan3A_31, %ge3A_64 : i32
      %convert_element_type3A_66 = arith.extui %ge3A_65 : i1 to i32
      %cond3A_67 = arith.constant 0 : i32
      %cond3A_68 = arith.cmpi ne, %convert_element_type3A_66, %cond3A_67 : i32
      scf.if %cond3A_68 {
        %dma_wait3A_87 = arith.constant 0 : i32
        %dma_wait3A_88 = arith.constant 0 : i32
        %dma_wait3A_89 = tpu.memref_slice %arg4[%dma_wait3A_87, %dma_wait3A_88, %mul3A_2] : memref<100x32x16384xf32, #tpu.memory_space<hbm>> -> memref<1x32x512xf32, #tpu.memory_space<hbm>>
        %dma_wait3A_90 = tpu.memref_squeeze %dma_wait3A_89 : memref<1x32x512xf32, #tpu.memory_space<hbm>> -> memref<32x512xf32, #tpu.memory_space<hbm>>
        %dma_wait3A_91 = arith.constant 0 : i32
        %dma_wait3A_92 = tpu.memref_slice %arg4[%dma_wait3A_87, %dma_wait3A_91, %mul3A_2] : memref<100x32x16384xf32, #tpu.memory_space<hbm>> -> memref<1x32x512xf32, #tpu.memory_space<hbm>>
        %dma_wait3A_93 = tpu.memref_squeeze %dma_wait3A_92 : memref<1x32x512xf32, #tpu.memory_space<hbm>> -> memref<32x512xf32, #tpu.memory_space<hbm>>
        tpu.wait_dma2 semaphore(%arg13 : memref<!tpu.dma_semaphore, #tpu.memory_space<semaphore_mem>>) src(%arg9 : memref<32x512xf32, #tpu.memory_space<vmem>>) dst(%dma_wait3A_93 : memref<32x512xf32, #tpu.memory_space<hbm>>)
      } else {
      }
      %dma_wait3A_69 = arith.constant 0 : i32
      %dma_wait3A_70 = arith.constant 0 : i32
      %dma_wait3A_71 = tpu.memref_slice %arg5[%dma_wait3A_69, %dma_wait3A_70] : memref<100x512xi32, #tpu.memory_space<vmem>> -> memref<1x512xi32, #tpu.memory_space<vmem>>
      %dma_wait3A_72 = tpu.memref_squeeze %dma_wait3A_71 : memref<1x512xi32, #tpu.memory_space<vmem>> -> memref<512xi32, #tpu.memory_space<vmem>>
      %dma_wait3A_73 = arith.constant 0 : i32
      %dma_wait3A_74 = arith.constant 0 : i32
      %dma_wait3A_75 = tpu.memref_slice %arg3[%dma_wait3A_73, %dma_wait3A_74] : memref<1000000x32xf32, #tpu.memory_space<hbm>> -> memref<1000000x32xf32, #tpu.memory_space<hbm>>
      tpu.wait_indirect_dma semaphore(%arg11 : memref<!tpu.dma_semaphore, #tpu.memory_space<semaphore_mem>>) src(%dma_wait3A_75 : memref<1000000x32xf32, #tpu.memory_space<hbm>>) dst(%arg7 : memref<512x32xf32, #tpu.memory_space<vmem>>)
      %lt3A = arith.constant 49 : i32
      %lt3A_76 = arith.cmpi slt, %scan3A_31, %lt3A : i32
      %convert_element_type3A_77 = arith.extui %lt3A_76 : i1 to i32
      %cond3A_78 = arith.constant 0 : i32
      %cond3A_79 = arith.cmpi ne, %convert_element_type3A_77, %cond3A_78 : i32
      scf.if %cond3A_79 {
        %add3A_87 = arith.constant 1 : i32
        %add3A_88 = arith.addi %add3A_63, %add3A_87 : i32
        %dma_start3A_89 = arith.constant 0 : i32
        %dma_start3A_90 = tpu.memref_slice %arg5[%add3A_88, %dma_start3A_89] : memref<100x512xi32, #tpu.memory_space<vmem>> -> memref<1x512xi32, #tpu.memory_space<vmem>>
        %dma_start3A_91 = tpu.memref_squeeze %dma_start3A_90 : memref<1x512xi32, #tpu.memory_space<vmem>> -> memref<512xi32, #tpu.memory_space<vmem>>
        %dma_start3A_92 = arith.constant 0 : i32
        %dma_start3A_93 = arith.constant 0 : i32
        %dma_start3A_94 = tpu.memref_slice %arg3[%dma_start3A_92, %dma_start3A_93] : memref<1000000x32xf32, #tpu.memory_space<hbm>> -> memref<1000000x32xf32, #tpu.memory_space<hbm>>
        tpu.enqueue_indirect_dma source(%dma_start3A_94 : memref<1000000x32xf32, #tpu.memory_space<hbm>>) target(%arg6 : memref<512x32xf32, #tpu.memory_space<vmem>>) offsets(%dma_start3A_91 : memref<512xi32, #tpu.memory_space<vmem>>) semaphore(%arg10 : memref<!tpu.dma_semaphore, #tpu.memory_space<semaphore_mem>>)
      } else {
      }
      %dma_start3A_80 = arith.constant 0 : i32
      %dma_start3A_81 = tpu.memref_slice %arg4[%add3A_63, %dma_start3A_80, %mul3A_2] : memref<100x32x16384xf32, #tpu.memory_space<hbm>> -> memref<1x32x512xf32, #tpu.memory_space<hbm>>
      %dma_start3A_82 = tpu.memref_squeeze %dma_start3A_81 : memref<1x32x512xf32, #tpu.memory_space<hbm>> -> memref<32x512xf32, #tpu.memory_space<hbm>>
      %dma_start3A_83 = arith.constant 0 : i32
      %dma_start3A_84 = tpu.memref_slice %arg4[%add3A_63, %dma_start3A_83, %mul3A_2] : memref<100x32x16384xf32, #tpu.memory_space<hbm>> -> memref<1x32x512xf32, #tpu.memory_space<hbm>>
      %dma_start3A_85 = tpu.memref_squeeze %dma_start3A_84 : memref<1x32x512xf32, #tpu.memory_space<hbm>> -> memref<32x512xf32, #tpu.memory_space<hbm>>
      tpu.enqueue_dma source(%arg9 : memref<32x512xf32, #tpu.memory_space<vmem>>) target(%dma_start3A_85 : memref<32x512xf32, #tpu.memory_space<hbm>>) target_semaphore(%arg13 : memref<!tpu.dma_semaphore, #tpu.memory_space<semaphore_mem>>)
      %scan3A_86 = arith.constant 0 : i32
      scf.yield %scan3A_86 : i32
    }
    %scan3A_17 = arith.constant 50 : i32
    %dma_wait3A = arith.constant 0 : i32
    %dma_wait3A_18 = arith.constant 0 : i32
    %dma_wait3A_19 = tpu.memref_slice %arg4[%dma_wait3A, %dma_wait3A_18, %mul3A_2] : memref<100x32x16384xf32, #tpu.memory_space<hbm>> -> memref<1x32x512xf32, #tpu.memory_space<hbm>>
    %dma_wait3A_20 = tpu.memref_squeeze %dma_wait3A_19 : memref<1x32x512xf32, #tpu.memory_space<hbm>> -> memref<32x512xf32, #tpu.memory_space<hbm>>
    %dma_wait3A_21 = arith.constant 0 : i32
    %dma_wait3A_22 = tpu.memref_slice %arg4[%dma_wait3A, %dma_wait3A_21, %mul3A_2] : memref<100x32x16384xf32, #tpu.memory_space<hbm>> -> memref<1x32x512xf32, #tpu.memory_space<hbm>>
    %dma_wait3A_23 = tpu.memref_squeeze %dma_wait3A_22 : memref<1x32x512xf32, #tpu.memory_space<hbm>> -> memref<32x512xf32, #tpu.memory_space<hbm>>
    tpu.wait_dma2 semaphore(%arg12 : memref<!tpu.dma_semaphore, #tpu.memory_space<semaphore_mem>>) src(%arg8 : memref<32x512xf32, #tpu.memory_space<vmem>>) dst(%dma_wait3A_23 : memref<32x512xf32, #tpu.memory_space<hbm>>)
    %dma_wait3A_24 = arith.constant 0 : i32
    %dma_wait3A_25 = arith.constant 0 : i32
    %dma_wait3A_26 = tpu.memref_slice %arg4[%dma_wait3A_24, %dma_wait3A_25, %mul3A_2] : memref<100x32x16384xf32, #tpu.memory_space<hbm>> -> memref<1x32x512xf32, #tpu.memory_space<hbm>>
    %dma_wait3A_27 = tpu.memref_squeeze %dma_wait3A_26 : memref<1x32x512xf32, #tpu.memory_space<hbm>> -> memref<32x512xf32, #tpu.memory_space<hbm>>
    %dma_wait3A_28 = arith.constant 0 : i32
    %dma_wait3A_29 = tpu.memref_slice %arg4[%dma_wait3A_24, %dma_wait3A_28, %mul3A_2] : memref<100x32x16384xf32, #tpu.memory_space<hbm>> -> memref<1x32x512xf32, #tpu.memory_space<hbm>>
    %dma_wait3A_30 = tpu.memref_squeeze %dma_wait3A_29 : memref<1x32x512xf32, #tpu.memory_space<hbm>> -> memref<32x512xf32, #tpu.memory_space<hbm>>
    tpu.wait_dma2 semaphore(%arg13 : memref<!tpu.dma_semaphore, #tpu.memory_space<semaphore_mem>>) src(%arg9 : memref<32x512xf32, #tpu.memory_space<vmem>>) dst(%dma_wait3A_30 : memref<32x512xf32, #tpu.memory_space<hbm>>)
    return
  }
}

</mosaic_0001>

<sc_bundles>
// kernel: _gather_t.3.cloned.1.call-start
scs
__scs_entry_jumppad:
0x0: {  	(pc) =	sbr.rel $0x88, $3  }
0x1: {  	(tag) =	ssettag $0x0;
	lr =	simm.s32 $0x1  }
0x2: {  	[smem:$0x3F9F] =	sst lr;
	_ =	strace $0xD0000000  }
0x3: {  	_ = 	snop  }
0x4: {  	_ = 	snop  }
0x5: {  	_ = 	snop  }
0x6: {  	_ = 	snop  }
0x7: {  	_ = 	snop  }
__scs_overlays_trampoline_lowered:
0x8: {  	[smem:$0x3FAE] =	sst s0  }
0x9: {  	[smem:$0x3FAF] =	sst s1  }
0xa: {  	[smem:$0x3FB0] =	sst s2  }
0xb: {  	[smem:$0x3FB1] =	sst s3  }
0xc: {  	[smem:$0x3FB2] =	sst s4  }
0xd: {  	[smem:$0x3FB3] =	sst s5  }
0xe: {  	[smem:$0x3FB4] =	sst s6  }
0xf: {  	[smem:$0x3FB5] =	sst s7  }
0x10: {  	[smem:$0x3FB6] =	sst s8  }
0x11: {  	[smem:$0x3FB7] =	sst s9;
	s0 =	simm.s32 @!p0 $0x0  }
0x12: {  	s1 =	sld [smem:$0x3F9D];
	s0 =	simm.s32 @p0 $0x1  }
0x13: {  	[smem:$0x3FB8] =	sst s0;
	s0 =	simm.s32 @!p1 $0x0  }
0x14: {  	s2 =	sld [smem:$0x3F9C];
	s0 =	simm.s32 @p1 $0x1  }
0x15: {  	[smem:$0x3FB9] =	sst s0;
	s0 =	simm.s32 @!p2 $0x0  }
0x16: {  	s3 =	sld [smem:$0x3FDB];
	s0 =	simm.s32 @p2 $0x1  }
0x17: {  	s4 =	simm.s32 $0x1BF5;
	[smem:$0x3FBB] =	sst s0  }
0x18: {  	s0 =	sld [smem:$0x3F9E];
	_ =	swait.ge [sflag:s4], $0x0  }
0x19: {  	s7 =	sld [smem:$0x3F9F]  }
0x1a: {  	s8 =	sadd.s32 $0xFFFFE003, lr  }
0x1b: {  	s9 =	sadd.s32 $0xFFFFFEF7, lr;
	s5 =	simm.s32 $0xFFFFFFFF;
	p2 =	slt.u32 s8, $0xFFFFF086  }
0x1c: {  	p1 =	slt.u32 s9, $0xF7A;
	s5 =	simm.s32 @!p2 $0x0  }
0x1d: {  	s5 =	simm.s32 @p1 $0x1;
	p0 =	seq.s32 s7, s2  }
0x1e: {  	s7 =	smul.u32 @!p0 $0xF7A, s2;
	p2 =	seq.s32 @!p0 s5, $0x0  }
0x1f: {  	s9 =	smul.u32 $0xF7A, s1;
	s8 =	simm.s32 @!p0 $0x1BF5;
	p2 =	por !p2, p0  }
0x20: {  	[sflag:s8] =	ssyncset.s32 @!p0 $0xFFFFF086;
	s6 =	sadd.s32 @!p0 s3, s7;
	s7 =	simm.s32 @!p0 $0x108  }
0x21: {  	s3 =	sadd.s32 s3, s9;
	s6 =	sadd.s32 @!p0 $0x88, s6;
	s7 =	simm.s32 @p2 $0x1082  }
0x22: {  	[simem:s7], [sflag:s8] =	dma.local @!p0 [hbm:s6], $0xF7A  }
0x23: {  	s9 =	sor.u32 $0xD0000000, s2;
	s6 =	simm.s32 $0x108;
	_ =	swait.ge @!p0 [sflag:s8], $0x0  }
0x24: {  	s3 =	sadd.s32 $0x88, s3;
	s6 =	simm.s32 @!p1 $0x1082;
	[sflag:s4] =	ssyncset.s32 $0xFFFFF086  }
0x25: {  	[simem:s6], [sflag:s4] =	dma.local [hbm:s3], $0xF7A  }
0x26: {  	[smem:$0x3F9F] =	sst s1;
	(tag) =	ssettag s2;
	_ =	strace s9  }
0x27: {  	s1 =	sld [smem:$0x3FAF]  }
0x28: {  	s2 =	sld [smem:$0x3FB0]  }
0x29: {  	s4 =	sld [smem:$0x3FB2]  }
0x2a: {  	p0 =	seq.s32 s5, $0x0;
	s5 =	sld [smem:$0x3FB3]  }
0x2b: {  	s6 =	sld [smem:$0x3FB4]  }
0x2c: {  	s7 =	sld [smem:$0x3FB5]  }
0x2d: {  	s3 =	simm.s32 $0x108;
	s8 =	sld [smem:$0x3FB6]  }
0x2e: {  	s3 =	simm.s32 @!p0 $0x1082;
	s9 =	sld [smem:$0x3FB7]  }
0x2f: {  	lr =	sadd.s32 s0, s3;
	s0 =	sld [smem:$0x3FAE]  }
0x30: {  	s3 =	sld [smem:$0x3FB1]  }
0x31: {  	[smem:$0x3FBA] =	sst s10  }
0x32: {  	s10 =	sld [smem:$0x3FB8];
	_ =	sdelay $0x3  }
0x33: {  	p0 =	seq.s32 s10, $0x1;
	s10 =	sld [smem:$0x3FBA];
	_ =	sdelay $0x3  }
0x34: {  	[smem:$0x3FBA] =	sst s10  }
0x35: {  	s10 =	sld [smem:$0x3FB9];
	_ =	sdelay $0x3  }
0x36: {  	p1 =	seq.s32 s10, $0x1;
	s10 =	sld [smem:$0x3FBA];
	_ =	sdelay $0x3  }
0x37: {  	[smem:$0x3FBA] =	sst s10  }
0x38: {  	s10 =	sld [smem:$0x3FBB]  }
0x39: {  	_ = 	snop;
	(pc) =	sbr.ind lr, $3  }
0x3a: {  	_ = 	snop  }
0x3b: {  	_ = 	snop  }
0x3c: {  	p2 =	seq.s32 s10, $0x1;
	s10 =	sld [smem:$0x3FBA]  }
0x3d: {  	_ =	shalt  }
0x3e: {  	_ =	shalt  }
0x3f: {  	_ =	shalt  }
0x40: {  	_ =	shalt  }
0x41: {  	_ =	shalt  }
0x42: {  	_ =	shalt  }
0x43: {  	_ =	shalt  }
0x44: {  	_ =	shalt  }
0x45: {  	_ =	shalt  }
0x46: {  	_ =	shalt  }
0x47: {  	_ =	shalt  }
0x48: {  	_ =	shalt  }
0x49: {  	_ =	shalt  }
0x4a: {  	_ =	shalt  }
0x4b: {  	_ =	shalt  }
0x4c: {  	_ =	shalt  }
0x4d: {  	_ =	shalt  }
0x4e: {  	_ =	shalt  }
0x4f: {  	_ =	shalt  }
0x50: {  	_ =	shalt  }
0x51: {  	_ =	shalt  }
0x52: {  	_ =	shalt  }
0x53: {  	_ =	shalt  }
0x54: {  	_ =	shalt  }
0x55: {  	_ =	shalt  }
0x56: {  	_ =	shalt  }
0x57: {  	_ =	shalt  }
0x58: {  	_ =	shalt  }
0x59: {  	_ =	shalt  }
0x5a: {  	_ =	shalt  }
0x5b: {  	_ =	shalt  }
0x5c: {  	_ =	shalt  }
0x5d: {  	_ =	shalt  }
0x5e: {  	_ =	shalt  }
0x5f: {  	_ =	shalt  }
0x60: {  	_ =	shalt  }
0x61: {  	_ =	shalt  }
0x62: {  	_ =	shalt  }
0x63: {  	_ =	shalt  }
0x64: {  	_ =	shalt  }
0x65: {  	_ =	shalt  }
0x66: {  	_ =	shalt  }
0x67: {  	_ =	shalt  }
0x68: {  	_ =	shalt  }
0x69: {  	_ =	shalt  }
0x6a: {  	_ =	shalt  }
0x6b: {  	_ =	shalt  }
0x6c: {  	_ =	shalt  }
0x6d: {  	_ =	shalt  }
0x6e: {  	_ =	shalt  }
0x6f: {  	_ =	shalt  }
0x70: {  	_ =	shalt  }
0x71: {  	_ =	shalt  }
0x72: {  	_ =	shalt  }
0x73: {  	_ =	shalt  }
0x74: {  	_ =	shalt  }
0x75: {  	_ =	shalt  }
0x76: {  	_ =	shalt  }
0x77: {  	_ =	shalt  }
0x78: {  	_ =	shalt  }
0x79: {  	_ =	shalt  }
0x7a: {  	_ =	shalt  }
0x7b: {  	_ =	shalt  }
0x7c: {  	_ =	shalt  }
0x7d: {  	_ =	shalt  }
0x7e: {  	_ =	shalt  }
0x7f: {  	_ =	shalt  }
0x80: {  	_ =	shalt  }
0x81: {  	_ =	shalt  }
0x82: {  	_ =	shalt  }
0x83: {  	_ =	shalt  }
0x84: {  	_ =	shalt  }
0x85: {  	_ =	shalt  }
0x86: {  	_ =	shalt  }
0x87: {  	_ =	shalt  }
.Lfunc_end0:
.L_simem_size_0:
called_computation_lowered:
.L_overlay_start_0:
0x88: {  	s2 =	sld [smem:$0x3FD9]  }
0x89: {  	s3 =	sld [smem:$0x3FFE];
	_ =	sdelay $0x1  }
0x8a: {  	s1 =	srdreg.scid  }
0x8b: {  	s0 =	sand.u32 $0x1, s1  }
0x8c: {  	s17 =	sshll.u32 s0, $0xA;
	s2 =	sadd.s32 s3, s2  }
0x8d: {  	s2 =	sadd.s32 s2, s17  }
0x8e: {  	[smem:$0x3FC6] =	sst s2  }
0x8f: {  	_ = 	snop  }
0x90: {  	s2 =	sld [smem:$0x3FD0];
	(tm) =	ssettm $0x1  }
0x91: {  	s18 =	sld [smem:$0x3FFB];
	_ =	sdelay $0x3  }
0x92: {  	_ =	strace s18  }
0x93: {  	s3 =	sld [smem:$0x3FFC];
	_ =	sdelay $0x3  }
0x94: {  	_ =	strace s3  }
0x95: {  	s3 =	sld [smem:$0x3FFD];
	_ =	sdelay $0x3  }
0x96: {  	_ =	strace s3  }
0x97: {  	_ =	strace $0x8FFFFFFF  }
0x98: {  	s19 =	sld [smem:$0x3FDB];
	_ =	sdelay $0x1  }
0x99: {  	s4 =	simm.s32 $_scs_section_size  }
0x9a: {  	s5 =	simm.s32 $_size__tile_overlayer_lowered;
	s6 =	simm.s32 $_tile_overlayer_lowered  }
0x9b: {  	s22 =	simm.s32 $0x1BFF;
	s21 =	sshll.u32 s6, $0x1;
	s3 =	sadd.s32 s4, s19  }
0x9c: {  	s7 =	simm.s32 $0x0;
	s20 =	sshll.u32 s5, $0x1;
	s5 =	sadd.s32 s21, s3  }
0x9d: {  	[timem:s7], [sflag:s22] =	dma.local [hbm:s5], s20  }
0x9e: {  	_ =	swait.ge [sflag:s22], s20  }
0x9f: {  	s4 =	ssub.s32 $0x0, s20;
	[sflag:s22] =	ssyncset.done $0x0  }
0xa0: {  	[sflag:s22] =	ssyncadd.s32 s4;
	_ =	sdelay $0x1  }
0xa1: {  	s23 =	simm.s32 $0x1B8B  }
0xa2: {  	_ =	swait.ge [sflag:s23], $0x1  }
0xa3: {  	[sflag:s23] =	ssyncset.done $0x0  }
0xa4: {  	s25 =	simm.s32 $0x1B8E;
	s24 =	sld [smem:$0x3FFE];
	[sflag:s23] =	ssyncadd.s32 $0xFFFFFFFF  }
0xa5: {  	s26 =	simm.s32 $execute0_lowered;
	[smem:$0x3FD2] =	sst s25  }
0xa6: {  	s5 =	sshll.u32 s26, $0x1;
	_ =	strace $0x80000046;
	[dreg:$0x1] =	wrdreg $0xFFFFFFFF  }
0xa7: {  	s28 =	simm.s32 $_size_execute0_lowered;
	s3 =	sadd.s32 s3, s5;
	[dreg:$0x0] =	wrdreg $0x0  }
0xa8: {  	s5 =	sshll.u32 s28, $0x1;
	[dreg:$0x2] =	wrdreg s3  }
0xa9: {  	[dreg:$0x3] =	wrdreg s5  }
0xaa: {  	[dreg:$0x4] =	wrdreg $0xC0  }
0xab: {  	_ =	task [dreg:s7], $0x5FFFF  }
0xac: {  	[dreg:$0x1] =	wrdreg $0xFFFFFFFF  }
0xad: {  	[dreg:$0x0] =	wrdreg $0x60  }
0xae: {  	[dreg:$0x2] =	wrdreg s24  }
0xaf: {  	[dreg:$0x3] =	wrdreg s2  }
0xb0: {  	[dreg:$0x4] =	wrdreg $0x9  }
0xb1: {  	_ =	task.clear_ibuf [dreg:s7], $0x5FFFF;
	_ =	strace $0x90000046  }
0xb2: {  	s29 =	simm.s32 $0x9;
	_ =	strace $0x80000048  }
0xb3: {  	_ =	swait.ge [sflag:s29], $0x1  }
0xb4: {  	[sflag:s29] =	ssyncadd.s32 $0xFFFFFFFF  }
0xb5: {  	_ =	strace $0x90000048  }
0xb6: {  	_ =	sfence  }
0xb7: {  	s30 =	sld [smem:$0x0];
	_ =	sdelay $0x2  }
0xb8: {  	s31 =	sshll.u32 s1, $0xD;
	s1 =	sshrl.u32 s1, $0x2  }
0xb9: {  	s3 =	sand.u32 $0x4000, s31;
	s1 =	sadd.s32 s1, s30  }
0xba: {  	s0 =	sor.u32 s3, s0;
	s1 =	sshll.u32 s1, $0x11  }
0xbb: {  	s0 =	sor.u32 s1, s0  }
0xbc: {  	s0 =	sadd.s32 $0x8F2B, s0  }
0xbd: {  	[sflag:s0] =	ssyncadd.remote.s32 $0x1  }
0xbe: {  	_ =	sfence.sel $0xFFFF  }
0xbf: {  	[dreg:$0x0] =	wrdreg $0xFFFFFFFF;
	(pc) =	sbr.abs _section_cstart, $3  }
0xc0: {  	[dreg:$0x1] =	wrdreg $0xFFFFFFFF  }
0xc1: {  	_ =	task.clear_ibuf [dreg:s7], $0x2FFFF;
	_ =	strace $0x9FFFFFFF  }
0xc2: {  	(tm) =	ssettm $0x7FFFFFFF  }
0xc3: {  	_ =	shalt  }
tec
execute0_lowered:
.L_overlay_start_1:
0x0: {  	(tag) =	ssettag $0x1  }
0x1: {  	s4 =	rddreg [dreg:$0x0]  }
0x2: {  	s2 =	rddreg [dreg:$0x1]  }
0x3: {  	s3 =	srdreg.scid;
	s0 =	stileid.u32;
	s13 =	simm.s32 $0x200  }
0x4: {  	s14 =	simm.s32 $0x4000;
	s15 =	simm.s32 $0x5;
	s16 =	simm.s32 $0xC800  }
0x5: {  	s17 =	simm.s32 $0x1;
	s18 =	simm.s32 $0x10800;
	s19 =	simm.s32 $0x14800  }
0x6: {  	s20 =	simm.s32 $0x2;
	s21 =	simm.s32 $0x400;
	s22 =	simm.s32 $0x18800  }
0x7: {  	s23 =	simm.s32 $0x3;
	s24 =	simm.s32 $0x4;
	s25 =	simm.s32 $0xC600  }
0x8: {  	s26 =	simm.s32 $0x0;
	s5 =	sand.u32 $0x1, s3;
	s3 =	simm.s32 $0x0  }
0x9: {  	s6 =	sshll.u32 s0, $0xA;
	s7 =	sshll.u32 s5, $0x9;
	s5 =	ssub.s32 $0x2, s5  }
0xa: {  	[smem:$0x7FF] =	sst s3;
	s11 =	sor.u32 s7, s6;
	s31 =	sshrl.u32 s5, $0x1  }
0xb: {  	_ =	strace $0x80000047;
	s7 =	sshrl.u32 s11, $0x3;
	s6 =	ssub.s32 s5, s31  }
0xc: {  	s12 =	sor.u32 $0x180000, s11;
	s11 =	sor.u32 $0x100000, s11;
	s8 =	sadd.s32 s7, s4  }
0xd: {  	s4 =	sadd.s32 $0x32600, s4;
	s6 =	smax.u32 s6, $0x1;
	s12 =	sshrl.u32 s12, $0x3  }
0xe: {  	s5 =	sadd.s32 $0x600, s8;
	s7 =	sadd.s32 s4, s7;
	s12 =	sadd.s32 s12, s4  }
0xf: {  	s8 =	sadd.s32 $0x10000, s7;
	s9 =	sadd.s32 $0x620000, s7;
	s10 =	sadd.s32 $0x630000, s7  }
.LBB2_1:
0x10: {  	[tilespmem:s3], [sflag:$0x5] =	stream.strided.gather [hbm4b:s5+s13], $0xC800, s14, s13, $0x38;
	[tilespmem:$0x1C800] =	vst v63  }
0x11: {  	_ =	swait.ge [sflag:s15], $0xC800  }
0x12: {  	[sflag:s15] =	ssyncset.done $0x0  }
0x13: {  	[sflag:s15] =	ssyncadd.s32 $0xFFFF3800  }
0x14: {  	[tilespmem:s16], [sflag:$0x1] =	stream.indirect.gather [hbm4b:s2+s13], $0x20, s3, s13, $0xb8;
	[tilespmem:$0x1C800] =	vst v63  }
0x15: {  	_ =	swait.ge [sflag:s17], $0x4000  }
0x16: {  	[sflag:s17] =	ssyncset.done $0x0  }
0x17: {  	[sflag:s17] =	ssyncadd.s32 $0xFFFFC000  }
0x18: {  	[tilespmem:s18], [sflag:$0x2] =	stream.indirect.gather [hbm4b:s2+s13], $0x20, s13, s13, $0xb8;
	[tilespmem:$0x1C800] =	vst v63  }
0x19: {  	_ = 	snop  }
0x1a: {  	[hbm4b:s7+s13] =	stream.strided.scatter [tilespmem:s19], [sflag:$0x3], $0x4000, s14, s13, $0x38;
	[tilespmem:$0x1C800] =	vst v63  }
0x1b: {  	_ =	swait.ge [sflag:s20], $0x4000  }
0x1c: {  	[sflag:s20] =	ssyncset.done $0x0  }
0x1d: {  	[sflag:s20] =	ssyncadd.s32 $0xFFFFC000  }
0x1e: {  	[tilespmem:s16], [sflag:$0x1] =	stream.indirect.gather [hbm4b:s2+s13], $0x20, s21, s13, $0xb8;
	[tilespmem:$0x1C800] =	vst v63  }
0x1f: {  	_ = 	snop  }
0x20: {  	[hbm4b:s8+s13] =	stream.strided.scatter [tilespmem:s22], [sflag:$0x4], $0x4000, s14, s13, $0x38;
	[tilespmem:$0x1C800] =	vst v63  }
0x21: {  	_ =	swait.ge [sflag:s23], $0x4000  }
0x22: {  	[sflag:s23] =	ssyncset.done $0x0  }
0x23: {  	[sflag:s23] =	ssyncadd.s32 $0xFFFFC000  }
0x24: {  	_ =	swait.ge [sflag:s17], $0x4000  }
0x25: {  	[sflag:s17] =	ssyncset.done $0x0  }
0x26: {  	s28 =	simm.s32 $0x600;
	s29 =	sshrl.u32 s11, $0x3;
	[sflag:s17] =	ssyncadd.s32 $0xFFFFC000  }
0x27: {  	[tilespmem:s18], [sflag:$0x2] =	stream.indirect.gather [hbm4b:s2+s13], $0x20, s28, s13, $0xb8;
	[tilespmem:$0x1C800] =	vst v63  }
0x28: {  	s28 =	sadd.s32 s4, s29  }
0x29: {  	[hbm4b:s28+s13] =	stream.strided.scatter [tilespmem:s19], [sflag:$0x3], $0x4000, s14, s13, $0x38;
	[tilespmem:$0x1C800] =	vst v63  }
0x2a: {  	_ =	swait.ge [sflag:s24], $0x4000  }
0x2b: {  	[sflag:s24] =	ssyncset.done $0x0  }
0x2c: {  	[sflag:s24] =	ssyncadd.s32 $0xFFFFC000  }
0x2d: {  	_ =	swait.ge [sflag:s20], $0x4000  }
0x2e: {  	[sflag:s20] =	ssyncset.done $0x0  }
0x2f: {  	s31 =	sadd.s32 $0x0, s12;
	s28 =	simm.s32 $0x800;
	[sflag:s20] =	ssyncadd.s32 $0xFFFFC000  }
0x30: {  	[tilespmem:s16], [sflag:$0x1] =	stream.indirect.gather [hbm4b:s2+s13], $0x20, s28, s13, $0xb8;
	[tilespmem:$0x1C800] =	vst v63  }
0x31: {  	s30 =	sadd.s32 $0x100000, s11;
	s29 =	simm.s32 $0xC00;
	s28 =	simm.s32 $0x20000  }
.LBB2_2:
0x32: {  	[hbm4b:s31+s13] =	stream.strided.scatter [tilespmem:s22], [sflag:$0x4], $0x4000, s14, s13, $0x38;
	[tilespmem:$0x1C800] =	vst v63  }
0x33: {  	s31 =	smov.u32 s28  }
0x34: {  	p0 =	sne.s32 s28, $0x5E0000;
	s28 =	sadd.s32 $0x20000, s28;
	_ =	swait.ge [sflag:s23], $0x4000  }
0x35: {  	[sflag:s23] =	ssyncset.done $0x0  }
0x36: {  	[sflag:s23] =	ssyncadd.s32 $0xFFFFC000  }
0x37: {  	_ =	swait.ge [sflag:s17], $0x4000  }
0x38: {  	[sflag:s17] =	ssyncset.done $0x0  }
0x39: {  	s0 =	sadd.s32 $0xFFFFFE00, s29;
	s1 =	sshrl.u32 s30, $0x3;
	[sflag:s17] =	ssyncadd.s32 $0xFFFFC000  }
0x3a: {  	[tilespmem:s18], [sflag:$0x2] =	stream.indirect.gather [hbm4b:s2+s13], $0x20, s0, s13, $0xb8;
	[tilespmem:$0x1C800] =	vst v63  }
0x3b: {  	s0 =	sadd.s32 s4, s1  }
0x3c: {  	[hbm4b:s0+s13] =	stream.strided.scatter [tilespmem:s19], [sflag:$0x3], $0x4000, s14, s13, $0x38;
	[tilespmem:$0x1C800] =	vst v63  }
0x3d: {  	_ =	swait.ge [sflag:s24], $0x4000  }
0x3e: {  	[sflag:s24] =	ssyncset.done $0x0  }
0x3f: {  	[sflag:s24] =	ssyncadd.s32 $0xFFFFC000  }
.Ltmp0:
0x40: {  	_ =	swait.ge [sflag:s20], $0x4000;
	(pc) =	sbr.rel @p0 .LBB2_2-.Ltmp0, $4  }
0x41: {  	[sflag:s20] =	ssyncset.done $0x0  }
0x42: {  	[sflag:s20] =	ssyncadd.s32 $0xFFFFC000  }
0x43: {  	[tilespmem:s16], [sflag:$0x1] =	stream.indirect.gather [hbm4b:s2+s13], $0x20, s29, s13, $0xb8;
	[tilespmem:$0x1C800] =	vst v63  }
0x44: {  	s30 =	sadd.s32 $0x100000, s30;
	s31 =	sadd.s32 s31, s12;
	s29 =	sadd.s32 $0x400, s29  }
0x45: {  	[hbm4b:s31+s13] =	stream.strided.scatter [tilespmem:s22], [sflag:$0x4], $0x4000, s14, s13, $0x38;
	[tilespmem:$0x1C800] =	vst v63  }
0x46: {  	_ =	swait.ge [sflag:s23], $0x4000  }
0x47: {  	[sflag:s23] =	ssyncset.done $0x0  }
0x48: {  	[sflag:s23] =	ssyncadd.s32 $0xFFFFC000  }
0x49: {  	_ =	swait.ge [sflag:s17], $0x4000  }
0x4a: {  	[sflag:s17] =	ssyncset.done $0x0  }
0x4b: {  	[sflag:s17] =	ssyncadd.s32 $0xFFFFC000  }
0x4c: {  	[tilespmem:s18], [sflag:$0x2] =	stream.indirect.gather [hbm4b:s2+s13], $0x20, s25, s13, $0xb8;
	[tilespmem:$0x1C800] =	vst v63  }
0x4d: {  	_ = 	snop  }
0x4e: {  	[hbm4b:s9+s13] =	stream.strided.scatter [tilespmem:s19], [sflag:$0x3], $0x4000, s14, s13, $0x38;
	[tilespmem:$0x1C800] =	vst v63  }
0x4f: {  	_ =	swait.ge [sflag:s24], $0x4000  }
0x50: {  	[sflag:s24] =	ssyncset.done $0x0  }
0x51: {  	[sflag:s24] =	ssyncadd.s32 $0xFFFFC000  }
0x52: {  	_ =	swait.ge [sflag:s20], $0x4000  }
0x53: {  	[sflag:s20] =	ssyncset.done $0x0  }
0x54: {  	s26 =	sadd.s32 $0x1, s26;
	[sflag:s20] =	ssyncadd.s32 $0xFFFFC000  }
0x55: {  	[hbm4b:s10+s13] =	stream.strided.scatter [tilespmem:s22], [sflag:$0x4], $0x4000, s14, s13, $0x38;
	[tilespmem:$0x1C800] =	vst v63  }
0x56: {  	p0 =	sne.s32 s26, s6;
	_ =	swait.ge [sflag:s23], $0x4000  }
.Ltmp1:
0x57: {  	[sflag:s23] =	ssyncset.done $0x0;
	(pc) =	sbr.rel @p0 .LBB2_1-.Ltmp1, $4  }
0x58: {  	[sflag:s23] =	ssyncadd.s32 $0xFFFFC000  }
0x59: {  	_ =	swait.ge [sflag:s24], $0x4000  }
0x5a: {  	[sflag:s24] =	ssyncset.done $0x0  }
0x5b: {  	[sflag:s24] =	ssyncadd.s32 $0xFFFFC000  }
0x5c: {  	_ =	sfence.sel $0x180000  }
0x5d: {  	[bflag:$0x0] =	sbarrier.arrive $0xFFFF  }
0x5e: {  	_ =	strace $0x90000047  }
0x5f: {  	s0 =	stileid.u32;
	[bflag:$0x2] =	sbarrier.arrive $0xFFFF  }
0x60: {  	p0 =	sne.s32 s0, $0x0;
	s0 =	rddreg [dreg:$0x2]  }
0x61: {  	s0 =	sadd.s32 @!p0 $0x100000, s0  }
0x62: {  	[sflag:s0] =	ssyncadd.tile.s32 @!p0 $0x1;
	_ =	shalt  }
.Lfunc_end2:
_tile_overlayer_lowered:
.L_overlay_start_2:
0x63: {  	(tag) =	ssettag $0x2  }
0x64: {  	s0 =	rddreg [dreg:$0x0];
	s2 =	stileid.u32  }
0x65: {  	s1 =	rddreg [dreg:$0x1];
	p0 =	sne.s32 s2, $0x0  }
0x66: {  	s3 =	rddreg [dreg:$0x2];
	[bflag:$0x3] =	sbarrier.arrive $0xFFFF;
	s2 =	simm.s32 @!p0 $0x1C05  }
0x67: {  	[timem:s3], [sflag:s2] =	dma.local @!p0 [hbm:s0], s1  }
0x68: {  	s0 =	simm.s32 @!p0 $0x5  }
0x69: {  	_ =	swait.ge @!p0 [sflag:s0], s1  }
0x6a: {  	s1 =	ssub.s32 @!p0 $0x0, s1;
	[sflag:s0] =	ssyncset.done @!p0 $0x0  }
0x6b: {  	[sflag:s0] =	ssyncadd.s32 @!p0 s1  }
0x6c: {  	[bflag:$0x3] =	sbarrier.arrive $0xFFFF  }
0x6d: {  	_ =	shalt  }

</sc_bundles>
